<compile_context>
chip_gen: v7x
topology: tpu7x:2x2x1
jax: 0.10.2.dev20260603
libtpu: 0.0.44.dev20260713+nightly
codegen_flags: <defaults>
</compile_context>

<pallas_src>
import jax
import jax.numpy as jnp
from jax import lax
from jax.experimental import pallas as pl
from jax.experimental.pallas import tpu as pltpu
from jax.experimental.pallas import tpu_sc as plsc

NSL = 12
NT = 16
SPS = NSL // 2
N = 512 * 512
CHUNK = N // NT
ROWS = CHUNK // 512
NB = 1024
HR = NB // 128
LO, HI = -7.0, 9.0
SCALE = NB / (HI - LO)


def _sc_body(x_hbm, t_hbm, hist_hbm, xbuf, tbuf, lhist, sem_x, sem_t, sem_o):
    cid = lax.axis_index("c")
    sid = lax.axis_index("s")

    def issue_in(k):
        s = cid * SPS + k
        buf = k % 2
        pltpu.async_copy(x_hbm.at[s, pl.ds(sid * ROWS, ROWS), :],
                         xbuf.at[pl.ds(buf * ROWS, ROWS), :], sem_x)
        pltpu.async_copy(t_hbm.at[s, pl.ds(sid * ROWS, ROWS), :],
                         tbuf.at[pl.ds(buf * ROWS, ROWS), :], sem_t)

    issue_in(0)

    def slice_loop(k, carry):
        s = cid * SPS + k
        buf = k % 2

        @pl.when(k + 1 < SPS)
        def _():
            issue_in(k + 1)

        @plsc.parallel_loop(0, NB // 16, 1, unroll=8)
        def zero_loop(i):
            lhist[buf * HR + (i >> 3), pl.ds((i & 7) * 16, 16)] = (
                jnp.zeros((16,), jnp.int32))

        pltpu.make_async_copy(x_hbm.at[s, pl.ds(sid * ROWS, ROWS), :],
                              xbuf.at[pl.ds(buf * ROWS, ROWS), :], sem_x).wait()
        pltpu.make_async_copy(t_hbm.at[s, pl.ds(sid * ROWS, ROWS), :],
                              tbuf.at[pl.ds(buf * ROWS, ROWS), :], sem_t).wait()

        C = ((1.0 - LO) * SCALE + 8388608.0) + (buf * NB).astype(jnp.float32)

        @plsc.parallel_loop(0, CHUNK // 16, 1, unroll=8)
        def hist_loop(i):
            row = buf * ROWS + (i >> 5)
            col = (i & 31) * 16
            x = xbuf[row, pl.ds(col, 16)]
            t = tbuf[row, pl.ds(col, 16)]
            b_ = x * SCALE
            bs = plsc.bitcast(plsc.bitcast(b_, jnp.int32) ^ (t << 31),
                              jnp.float32)
            v = plsc.bitcast(bs + C, jnp.int32)
            brow = (v >> 7) & (2 * HR - 1)
            bcol = v & 127
            packed = 1 + (t << 15)
            plsc.addupdate_scatter(lhist, [brow, bcol], packed)

        @pl.when(k > 0)
        def _():
            pltpu.make_async_copy(lhist.at[pl.ds((1 - buf) * HR, HR), :],
                                  hist_hbm.at[s - 1, sid], sem_o).wait()

        pltpu.async_copy(lhist.at[pl.ds(buf * HR, HR), :],
                         hist_hbm.at[s, sid], sem_o)
        return carry

    lax.fori_loop(0, SPS, slice_loop, 0)
    last = cid * SPS + SPS - 1
    pltpu.make_async_copy(lhist.at[pl.ds(((SPS - 1) % 2) * HR, HR), :],
                          hist_hbm.at[last, sid], sem_o).wait()


_sc_hist = pl.kernel(
    _sc_body,
    out_type=jax.ShapeDtypeStruct((NSL, NT, NB // 128, 128), jnp.int32),
    mesh=plsc.VectorSubcoreMesh(core_axis_name="c", subcore_axis_name="s"),
    scratch_types=[
        pltpu.VMEM((2 * ROWS, 512), jnp.float32),
        pltpu.VMEM((2 * ROWS, 512), jnp.int32),
        pltpu.VMEM((2 * (NB // 128), 128), jnp.int32),
        pltpu.SemaphoreType.DMA,
        pltpu.SemaphoreType.DMA,
        pltpu.SemaphoreType.DMA,
    ],
    compiler_params=pltpu.CompilerParams(needs_layout_passes=False),
)


def _tc_body(hist_ref, out_ref):
    histp = hist_ref[...]
    cnt = jnp.sum(histp & 0x7FFF, axis=1).astype(jnp.float32)
    pos = jnp.sum(histp >> 15, axis=1).astype(jnp.float32)
    r = lax.broadcasted_iota(jnp.int32, (128, 128), 0)
    c = lax.broadcasted_iota(jnp.int32, (128, 128), 1)
    upper = (r <= c).astype(jnp.float32)
    rh = lax.broadcasted_iota(jnp.int32, (HR, HR), 0)
    ch = lax.broadcasted_iota(jnp.int32, (HR, HR), 1)
    lstrict = (rh > ch).astype(jnp.float32)

    def flat_cumsum(x):
        rowcs = lax.dot_general(x, upper, (((2,), (0,)), ((), ())),
                                preferred_element_type=jnp.float32)
        rowsum = rowcs[:, :, 127]
        rowpre = lax.dot_general(rowsum, lstrict, (((1,), (1,)), ((), ())),
                                 preferred_element_type=jnp.float32)
        return rowcs + rowpre[:, :, None]

    Ccum = flat_cumsum(cnt)
    Pcum = flat_cumsum(pos)
    Ntot = Ccum[:, HR - 1:HR, 127:128]
    G = Pcum[:, HR - 1:HR, 127:128]
    I_b4 = Ntot - Ccum
    P_b4 = G - Pcum
    U_b4 = G + I_b4 - P_b4
    U_af = U_b4 + (cnt - pos)
    num = (G - P_b4) * (cnt - pos) + pos * U_b4
    dJ = num / jnp.maximum(U_b4 * U_af, 1.0)
    dJ0 = jnp.where((I_b4 == 0.0) & (cnt > 0.0), 1.0, 0.0)
    dJ = jnp.where(G == 0.0, dJ0, dJ)
    rb = lax.broadcasted_iota(jnp.int32, (HR, 128), 0)
    cb = lax.broadcasted_iota(jnp.int32, (HR, 128), 1)
    flatb = (rb * 128 + cb).astype(jnp.float32)
    val = jnp.maximum(LO + flatb / SCALE, 0.0)
    loss = jnp.sum(val[None] * dJ) / NSL
    out_ref[...] = jnp.full((1, 1), loss, jnp.float32)


_tc_loss = pl.pallas_call(
    _tc_body,
    out_shape=jax.ShapeDtypeStruct((1, 1), jnp.float32),
)


def kernel(input, target):
    x = input.reshape(NSL, 512, 512)
    t = target.reshape(NSL, 512, 512)
    hist = _sc_hist(x, t)
    return _tc_loss(hist)[0, 0]

# --- scband reference (transcript-rebuilt; emitter-appended) ---
"""Pipeline reference for scband-lovasz-loss-63848983823243 (READ-ONLY COPY).

The authoritative reference and input builder live on the scoring server;
editing this copy changes nothing except your own understanding.
"""

import jax, jax.numpy as jnp
import numpy as np


def setup_inputs(seed: int = 0):
    key = jax.random.key(seed)
    k1, k2 = jax.random.split(key)
    input = jax.random.normal(k1, (4, 3, 512, 512), dtype=jnp.float32)
    target = jax.random.randint(k2, (4, 3, 512, 512), 0, 2, dtype=jnp.int32)
    return {"input": input, "target": target}


def _lovasz_single(inp, tgt):
    inp = inp.reshape(-1)
    tgt = tgt.reshape(-1)
    tgtf = tgt.astype(jnp.float32)
    signs = 2.0 * tgtf - 1.0
    errors = 1.0 - inp * signs
    # torch.sort(errors, descending=True)
    perm = jnp.argsort(-errors)
    errors_sorted = errors[perm]
    gt_sorted = tgtf[perm]
    # lovasz_grad (Alg. 1); detached in original via Variable(grad)
    gts = gt_sorted.sum()
    intersection = gts - jnp.cumsum(gt_sorted)
    union = gts + jnp.cumsum(1.0 - gt_sorted)
    jaccard = 1.0 - intersection / union
    jaccard = jnp.concatenate([jaccard[:1], jaccard[1:] - jaccard[:-1]])
    jaccard = jax.lax.stop_gradient(jaccard)
    return jnp.dot(jax.nn.relu(errors_sorted), jaccard)


def reference(input, target):
    b = input.shape[0]
    c = input.shape[1]
    flat_inp = input.reshape(b * c, -1)
    flat_tgt = target.reshape(b * c, -1)
    losses = jax.vmap(_lovasz_single)(flat_inp, flat_tgt)
    # sum of channel_loss / (batch_size * channel_num)
    return jnp.sum(losses) / (b * c)

if __name__ == "__main__":
    import jax
    _d = setup_inputs()
    print(jax.jit(kernel)(*tuple(_d.values())))

</pallas_src>

<mosaic_0001>
#map = affine_map<(d0, d1) -> (0, 0, 0)>
#map1 = affine_map<(d0, d1) -> (0, 0, 0, 0)>
module attributes {stable_mosaic.version = 14 : i64} {
  func.func @_sc_body(%arg0: i32, %arg1: i32, %arg2: memref<12x512x512xf32, #tpu.memory_space<hbm>>, %arg3: memref<12x512x512xi32, #tpu.memory_space<hbm>>, %arg4: memref<12x16x8x128xi32, #tpu.memory_space<hbm>>, %arg5: memref<64x512xf32, #tpu.memory_space<vmem>>, %arg6: memref<64x512xi32, #tpu.memory_space<vmem>>, %arg7: memref<16x128xi32, #tpu.memory_space<vmem>>, %arg8: memref<!tpu.dma_semaphore, #tpu.memory_space<semaphore_mem>>, %arg9: memref<!tpu.dma_semaphore, #tpu.memory_space<semaphore_mem>>, %arg10: memref<!tpu.dma_semaphore, #tpu.memory_space<semaphore_mem>>) attributes {dimension_semantics = [#tpu.dimension_semantics<core_parallel>, #tpu.dimension_semantics<subcore_parallel>], iteration_bounds = array<i64: 2, 16>, scalar_prefetch = 0 : i64, scratch_operands = 6 : i64, tpu.core_type = #tpu.core_type<sc_vector_subcore>, window_params = [{transform_indices = #map}, {transform_indices = #map}, {transform_indices = #map1}]} {
    %mul3A = arith.constant 6 : i32
    %mul3A_0 = arith.muli %arg0, %mul3A : i32
    %add3A = arith.constant 0 : i32
    %add3A_1 = arith.addi %mul3A_0, %add3A : i32
    %mul3A_2 = arith.constant 32 : i32
    %mul3A_3 = arith.muli %arg1, %mul3A_2 : i32
    %dma_start3A = arith.constant 0 : i32
    %dma_start3A_4 = arith.constant 0 : i32
    %dma_start3A_5 = tpu.memref_slice %arg5[%dma_start3A, %dma_start3A_4] : memref<64x512xf32, #tpu.memory_space<vmem>> -> memref<32x512xf32, #tpu.memory_space<vmem>>
    %dma_start3A_6 = arith.constant 0 : i32
    %dma_start3A_7 = tpu.memref_slice %arg2[%add3A_1, %mul3A_3, %dma_start3A_6] : memref<12x512x512xf32, #tpu.memory_space<hbm>> -> memref<1x32x512xf32, #tpu.memory_space<hbm>>
    %dma_start3A_8 = tpu.memref_squeeze %dma_start3A_7 : memref<1x32x512xf32, #tpu.memory_space<hbm>> -> memref<32x512xf32, #tpu.memory_space<hbm>>
    %dma_start3A_9 = arith.constant 0 : i32
    %dma_start3A_10 = arith.constant 0 : i32
    %dma_start3A_11 = tpu.memref_slice %arg5[%dma_start3A_9, %dma_start3A_10] : memref<64x512xf32, #tpu.memory_space<vmem>> -> memref<32x512xf32, #tpu.memory_space<vmem>>
    %dma_start3A_12 = arith.constant 0 : i32
    %dma_start3A_13 = tpu.memref_slice %arg2[%add3A_1, %mul3A_3, %dma_start3A_12] : memref<12x512x512xf32, #tpu.memory_space<hbm>> -> memref<1x32x512xf32, #tpu.memory_space<hbm>>
    %dma_start3A_14 = tpu.memref_squeeze %dma_start3A_13 : memref<1x32x512xf32, #tpu.memory_space<hbm>> -> memref<32x512xf32, #tpu.memory_space<hbm>>
    tpu.enqueue_dma source(%dma_start3A_14 : memref<32x512xf32, #tpu.memory_space<hbm>>) target(%dma_start3A_11 : memref<32x512xf32, #tpu.memory_space<vmem>>) target_semaphore(%arg8 : memref<!tpu.dma_semaphore, #tpu.memory_space<semaphore_mem>>)
    %mul3A_15 = arith.constant 32 : i32
    %mul3A_16 = arith.muli %arg1, %mul3A_15 : i32
    %dma_start3A_17 = arith.constant 0 : i32
    %dma_start3A_18 = arith.constant 0 : i32
    %dma_start3A_19 = tpu.memref_slice %arg6[%dma_start3A_17, %dma_start3A_18] : memref<64x512xi32, #tpu.memory_space<vmem>> -> memref<32x512xi32, #tpu.memory_space<vmem>>
    %dma_start3A_20 = arith.constant 0 : i32
    %dma_start3A_21 = tpu.memref_slice %arg3[%add3A_1, %mul3A_16, %dma_start3A_20] : memref<12x512x512xi32, #tpu.memory_space<hbm>> -> memref<1x32x512xi32, #tpu.memory_space<hbm>>
    %dma_start3A_22 = tpu.memref_squeeze %dma_start3A_21 : memref<1x32x512xi32, #tpu.memory_space<hbm>> -> memref<32x512xi32, #tpu.memory_space<hbm>>
    %dma_start3A_23 = arith.constant 0 : i32
    %dma_start3A_24 = arith.constant 0 : i32
    %dma_start3A_25 = tpu.memref_slice %arg6[%dma_start3A_23, %dma_start3A_24] : memref<64x512xi32, #tpu.memory_space<vmem>> -> memref<32x512xi32, #tpu.memory_space<vmem>>
    %dma_start3A_26 = arith.constant 0 : i32
    %dma_start3A_27 = tpu.memref_slice %arg3[%add3A_1, %mul3A_16, %dma_start3A_26] : memref<12x512x512xi32, #tpu.memory_space<hbm>> -> memref<1x32x512xi32, #tpu.memory_space<hbm>>
    %dma_start3A_28 = tpu.memref_squeeze %dma_start3A_27 : memref<1x32x512xi32, #tpu.memory_space<hbm>> -> memref<32x512xi32, #tpu.memory_space<hbm>>
    tpu.enqueue_dma source(%dma_start3A_28 : memref<32x512xi32, #tpu.memory_space<hbm>>) target(%dma_start3A_25 : memref<32x512xi32, #tpu.memory_space<vmem>>) target_semaphore(%arg9 : memref<!tpu.dma_semaphore, #tpu.memory_space<semaphore_mem>>)
    %scan3A = arith.constant 0 : i32
    %scan3A_29 = arith.constant 0 : i32
    %scan3A_30 = arith.constant 6 : i32
    %scan3A_31 = arith.addi %scan3A_29, %scan3A_30 : i32
    %scan3A_32 = arith.constant 1 : i32
    scf.for %scan3A_52 = %scan3A_29 to %scan3A_31 step %scan3A_32  : i32 {
      %mul3A_53 = arith.constant 6 : i32
      %mul3A_54 = arith.muli %arg0, %mul3A_53 : i32
      %add3A_55 = arith.addi %mul3A_54, %scan3A_52 : i32
      %jit3A = arith.constant 2 : i32
      %eq3A = arith.constant 0 : i32
      %eq3A_56 = arith.cmpi eq, %jit3A, %eq3A : i32
      %jit3A_57 = arith.constant 1 : i32
      %select_n3A = arith.select %eq3A_56, %jit3A_57, %jit3A : i32
      %rem3A = arith.remsi %scan3A_52, %select_n3A : i32
      %ne3A = arith.constant 0 : i32
      %ne3A_58 = arith.cmpi ne, %rem3A, %ne3A : i32
      %lt3A = arith.constant 0 : i32
      %lt3A_59 = arith.cmpi slt, %rem3A, %lt3A : i32
      %lt3A_60 = arith.constant 0 : i32
      %lt3A_61 = arith.cmpi slt, %select_n3A, %lt3A_60 : i32
      %ne3A_62 = arith.xori %lt3A_59, %lt3A_61 : i1
      %and3A = arith.andi %ne3A_62, %ne3A_58 : i1
      %add3A_63 = arith.addi %rem3A, %select_n3A : i32
      %select_n3A_64 = arith.select %and3A, %add3A_63, %rem3A : i32
      %add3A_65 = arith.constant 1 : i32
      %add3A_66 = arith.addi %scan3A_52, %add3A_65 : i32
      %lt3A_67 = arith.constant 6 : i32
      %lt3A_68 = arith.cmpi slt, %add3A_66, %lt3A_67 : i32
      %convert_element_type3A = arith.extui %lt3A_68 : i1 to i32
      %cond3A = arith.constant 0 : i32
      %cond3A_69 = arith.cmpi ne, %convert_element_type3A, %cond3A : i32
      scf.if %cond3A_69 {
        %add3A_126 = arith.constant 1 : i32
        %add3A_127 = arith.addi %scan3A_52, %add3A_126 : i32
        %mul3A_128 = arith.constant 6 : i32
        %mul3A_129 = arith.muli %arg0, %mul3A_128 : i32
        %add3A_130 = arith.addi %mul3A_129, %add3A_127 : i32
        %jit3A_131 = arith.constant 2 : i32
        %eq3A_132 = arith.constant 0 : i32
        %eq3A_133 = arith.cmpi eq, %jit3A_131, %eq3A_132 : i32
        %jit3A_134 = arith.constant 1 : i32
        %select_n3A_135 = arith.select %eq3A_133, %jit3A_134, %jit3A_131 : i32
        %rem3A_136 = arith.remsi %add3A_127, %select_n3A_135 : i32
        %ne3A_137 = arith.constant 0 : i32
        %ne3A_138 = arith.cmpi ne, %rem3A_136, %ne3A_137 : i32
        %lt3A_139 = arith.constant 0 : i32
        %lt3A_140 = arith.cmpi slt, %rem3A_136, %lt3A_139 : i32
        %lt3A_141 = arith.constant 0 : i32
        %lt3A_142 = arith.cmpi slt, %select_n3A_135, %lt3A_141 : i32
        %ne3A_143 = arith.xori %lt3A_140, %lt3A_142 : i1
        %and3A_144 = arith.andi %ne3A_143, %ne3A_138 : i1
        %add3A_145 = arith.addi %rem3A_136, %select_n3A_135 : i32
        %select_n3A_146 = arith.select %and3A_144, %add3A_145, %rem3A_136 : i32
        %mul3A_147 = arith.constant 32 : i32
        %mul3A_148 = arith.muli %arg1, %mul3A_147 : i32
        %mul3A_149 = arith.constant 32 : i32
        %mul3A_150 = arith.muli %select_n3A_146, %mul3A_149 : i32
        %dma_start3A_151 = arith.constant 0 : i32
        %dma_start3A_152 = tpu.memref_slice %arg5[%mul3A_150, %dma_start3A_151] : memref<64x512xf32, #tpu.memory_space<vmem>> -> memref<32x512xf32, #tpu.memory_space<vmem>>
        %dma_start3A_153 = arith.constant 0 : i32
        %dma_start3A_154 = tpu.memref_slice %arg2[%add3A_130, %mul3A_148, %dma_start3A_153] : memref<12x512x512xf32, #tpu.memory_space<hbm>> -> memref<1x32x512xf32, #tpu.memory_space<hbm>>
        %dma_start3A_155 = tpu.memref_squeeze %dma_start3A_154 : memref<1x32x512xf32, #tpu.memory_space<hbm>> -> memref<32x512xf32, #tpu.memory_space<hbm>>
        %dma_start3A_156 = arith.constant 0 : i32
        %dma_start3A_157 = tpu.memref_slice %arg5[%mul3A_150, %dma_start3A_156] : memref<64x512xf32, #tpu.memory_space<vmem>> -> memref<32x512xf32, #tpu.memory_space<vmem>>
        %dma_start3A_158 = arith.constant 0 : i32
        %dma_start3A_159 = tpu.memref_slice %arg2[%add3A_130, %mul3A_148, %dma_start3A_158] : memref<12x512x512xf32, #tpu.memory_space<hbm>> -> memref<1x32x512xf32, #tpu.memory_space<hbm>>
        %dma_start3A_160 = tpu.memref_squeeze %dma_start3A_159 : memref<1x32x512xf32, #tpu.memory_space<hbm>> -> memref<32x512xf32, #tpu.memory_space<hbm>>
        tpu.enqueue_dma source(%dma_start3A_160 : memref<32x512xf32, #tpu.memory_space<hbm>>) target(%dma_start3A_157 : memref<32x512xf32, #tpu.memory_space<vmem>>) target_semaphore(%arg8 : memref<!tpu.dma_semaphore, #tpu.memory_space<semaphore_mem>>)
        %mul3A_161 = arith.constant 32 : i32
        %mul3A_162 = arith.muli %arg1, %mul3A_161 : i32
        %mul3A_163 = arith.constant 32 : i32
        %mul3A_164 = arith.muli %select_n3A_146, %mul3A_163 : i32
        %dma_start3A_165 = arith.constant 0 : i32
        %dma_start3A_166 = tpu.memref_slice %arg6[%mul3A_164, %dma_start3A_165] : memref<64x512xi32, #tpu.memory_space<vmem>> -> memref<32x512xi32, #tpu.memory_space<vmem>>
        %dma_start3A_167 = arith.constant 0 : i32
        %dma_start3A_168 = tpu.memref_slice %arg3[%add3A_130, %mul3A_162, %dma_start3A_167] : memref<12x512x512xi32, #tpu.memory_space<hbm>> -> memref<1x32x512xi32, #tpu.memory_space<hbm>>
        %dma_start3A_169 = tpu.memref_squeeze %dma_start3A_168 : memref<1x32x512xi32, #tpu.memory_space<hbm>> -> memref<32x512xi32, #tpu.memory_space<hbm>>
        %dma_start3A_170 = arith.constant 0 : i32
        %dma_start3A_171 = tpu.memref_slice %arg6[%mul3A_164, %dma_start3A_170] : memref<64x512xi32, #tpu.memory_space<vmem>> -> memref<32x512xi32, #tpu.memory_space<vmem>>
        %dma_start3A_172 = arith.constant 0 : i32
        %dma_start3A_173 = tpu.memref_slice %arg3[%add3A_130, %mul3A_162, %dma_start3A_172] : memref<12x512x512xi32, #tpu.memory_space<hbm>> -> memref<1x32x512xi32, #tpu.memory_space<hbm>>
        %dma_start3A_174 = tpu.memref_squeeze %dma_start3A_173 : memref<1x32x512xi32, #tpu.memory_space<hbm>> -> memref<32x512xi32, #tpu.memory_space<hbm>>
        tpu.enqueue_dma source(%dma_start3A_174 : memref<32x512xi32, #tpu.memory_space<hbm>>) target(%dma_start3A_171 : memref<32x512xi32, #tpu.memory_space<vmem>>) target_semaphore(%arg9 : memref<!tpu.dma_semaphore, #tpu.memory_space<semaphore_mem>>)
      } else {
      }
      %parallel_loop3A = arith.constant 0 : i32
      %parallel_loop3A_70 = arith.constant 64 : i32
      %parallel_loop3A_71 = arith.constant 1 : i32
      scf.for %parallel_loop3A_126 = %parallel_loop3A to %parallel_loop3A_70 step %parallel_loop3A_71  : i32 {
        %parallel_loop3A_127 = arith.constant 0 : i32
        %parallel_loop3A_128 = vector.broadcast %parallel_loop3A_127 : i32 to vector<16xi32>
        %parallel_loop3A_129 = arith.constant 8 : i32
        %parallel_loop3A_130 = arith.muli %select_n3A_64, %parallel_loop3A_129 : i32
        %parallel_loop3A_131 = arith.constant 3 : i32
        %parallel_loop3A_132 = arith.shrsi %parallel_loop3A_126, %parallel_loop3A_131 : i32
        %parallel_loop3A_133 = arith.addi %parallel_loop3A_130, %parallel_loop3A_132 : i32
        %parallel_loop3A_134 = arith.constant 7 : i32
        %parallel_loop3A_135 = arith.andi %parallel_loop3A_126, %parallel_loop3A_134 : i32
        %parallel_loop3A_136 = arith.constant 16 : i32
        %parallel_loop3A_137 = arith.muli %parallel_loop3A_135, %parallel_loop3A_136 : i32
        %parallel_loop3A_138 = arith.index_cast %parallel_loop3A_133 : i32 to index
        %parallel_loop3A_139 = arith.index_cast %parallel_loop3A_137 : i32 to index
        %parallel_loop3A_140 = tpu.vector_load %arg7[%parallel_loop3A_138, %parallel_loop3A_139] {strides = array<i32>} : memref<16x128xi32, #tpu.memory_space<vmem>>, vector<16xi32>,
        tpu.vector_store %arg7[%parallel_loop3A_138, %parallel_loop3A_139], %parallel_loop3A_128 {strides = array<i32>} : memref<16x128xi32, #tpu.memory_space<vmem>>, vector<16xi32>,
      } {sc.loop_unroll_factor = 8 : i64, sc.parallel_access}
      %mul3A_72 = arith.constant 32 : i32
      %mul3A_73 = arith.muli %arg1, %mul3A_72 : i32
      %mul3A_74 = arith.constant 32 : i32
      %mul3A_75 = arith.muli %select_n3A_64, %mul3A_74 : i32
      %dma_wait3A_76 = arith.constant 0 : i32
      %dma_wait3A_77 = tpu.memref_slice %arg5[%mul3A_75, %dma_wait3A_76] : memref<64x512xf32, #tpu.memory_space<vmem>> -> memref<32x512xf32, #tpu.memory_space<vmem>>
      %dma_wait3A_78 = arith.constant 0 : i32
      %dma_wait3A_79 = tpu.memref_slice %arg2[%add3A_55, %mul3A_73, %dma_wait3A_78] : memref<12x512x512xf32, #tpu.memory_space<hbm>> -> memref<1x32x512xf32, #tpu.memory_space<hbm>>
      %dma_wait3A_80 = tpu.memref_squeeze %dma_wait3A_79 : memref<1x32x512xf32, #tpu.memory_space<hbm>> -> memref<32x512xf32, #tpu.memory_space<hbm>>
      %dma_wait3A_81 = arith.constant 0 : i32
      %dma_wait3A_82 = tpu.memref_slice %arg5[%mul3A_75, %dma_wait3A_81] : memref<64x512xf32, #tpu.memory_space<vmem>> -> memref<32x512xf32, #tpu.memory_space<vmem>>
      %dma_wait3A_83 = arith.constant 0 : i32
      %dma_wait3A_84 = tpu.memref_slice %arg2[%add3A_55, %mul3A_73, %dma_wait3A_83] : memref<12x512x512xf32, #tpu.memory_space<hbm>> -> memref<1x32x512xf32, #tpu.memory_space<hbm>>
      %dma_wait3A_85 = tpu.memref_squeeze %dma_wait3A_84 : memref<1x32x512xf32, #tpu.memory_space<hbm>> -> memref<32x512xf32, #tpu.memory_space<hbm>>
      tpu.wait_dma2 semaphore(%arg8 : memref<!tpu.dma_semaphore, #tpu.memory_space<semaphore_mem>>) src(%dma_wait3A_85 : memref<32x512xf32, #tpu.memory_space<hbm>>) dst(%dma_wait3A_82 : memref<32x512xf32, #tpu.memory_space<vmem>>)
      %mul3A_86 = arith.constant 32 : i32
      %mul3A_87 = arith.muli %arg1, %mul3A_86 : i32
      %mul3A_88 = arith.constant 32 : i32
      %mul3A_89 = arith.muli %select_n3A_64, %mul3A_88 : i32
      %dma_wait3A_90 = arith.constant 0 : i32
      %dma_wait3A_91 = tpu.memref_slice %arg6[%mul3A_89, %dma_wait3A_90] : memref<64x512xi32, #tpu.memory_space<vmem>> -> memref<32x512xi32, #tpu.memory_space<vmem>>
      %dma_wait3A_92 = arith.constant 0 : i32
      %dma_wait3A_93 = tpu.memref_slice %arg3[%add3A_55, %mul3A_87, %dma_wait3A_92] : memref<12x512x512xi32, #tpu.memory_space<hbm>> -> memref<1x32x512xi32, #tpu.memory_space<hbm>>
      %dma_wait3A_94 = tpu.memref_squeeze %dma_wait3A_93 : memref<1x32x512xi32, #tpu.memory_space<hbm>> -> memref<32x512xi32, #tpu.memory_space<hbm>>
      %dma_wait3A_95 = arith.constant 0 : i32
      %dma_wait3A_96 = tpu.memref_slice %arg6[%mul3A_89, %dma_wait3A_95] : memref<64x512xi32, #tpu.memory_space<vmem>> -> memref<32x512xi32, #tpu.memory_space<vmem>>
      %dma_wait3A_97 = arith.constant 0 : i32
      %dma_wait3A_98 = tpu.memref_slice %arg3[%add3A_55, %mul3A_87, %dma_wait3A_97] : memref<12x512x512xi32, #tpu.memory_space<hbm>> -> memref<1x32x512xi32, #tpu.memory_space<hbm>>
      %dma_wait3A_99 = tpu.memref_squeeze %dma_wait3A_98 : memref<1x32x512xi32, #tpu.memory_space<hbm>> -> memref<32x512xi32, #tpu.memory_space<hbm>>
      tpu.wait_dma2 semaphore(%arg9 : memref<!tpu.dma_semaphore, #tpu.memory_space<semaphore_mem>>) src(%dma_wait3A_99 : memref<32x512xi32, #tpu.memory_space<hbm>>) dst(%dma_wait3A_96 : memref<32x512xi32, #tpu.memory_space<vmem>>)
      %mul3A_100 = arith.constant 1024 : i32
      %mul3A_101 = arith.muli %select_n3A_64, %mul3A_100 : i32
      %convert_element_type3A_102 = arith.sitofp %mul3A_101 : i32 to f32
      %add3A_103 = arith.constant 8.389120e+06 : f32
      %add3A_104 = arith.addf %add3A_103, %convert_element_type3A_102 : f32
      %parallel_loop3A_105 = arith.constant 0 : i32
      %parallel_loop3A_106 = arith.constant 1024 : i32
      %parallel_loop3A_107 = arith.constant 1 : i32
      scf.for %parallel_loop3A_126 = %parallel_loop3A_105 to %parallel_loop3A_106 step %parallel_loop3A_107  : i32 {
        %parallel_loop3A_127 = arith.constant 32 : i32
        %parallel_loop3A_128 = arith.muli %select_n3A_64, %parallel_loop3A_127 : i32
        %parallel_loop3A_129 = arith.constant 5 : i32
        %parallel_loop3A_130 = arith.shrsi %parallel_loop3A_126, %parallel_loop3A_129 : i32
        %parallel_loop3A_131 = arith.addi %parallel_loop3A_128, %parallel_loop3A_130 : i32
        %parallel_loop3A_132 = arith.constant 31 : i32
        %parallel_loop3A_133 = arith.andi %parallel_loop3A_126, %parallel_loop3A_132 : i32
        %parallel_loop3A_134 = arith.constant 16 : i32
        %parallel_loop3A_135 = arith.muli %parallel_loop3A_133, %parallel_loop3A_134 : i32
        %parallel_loop3A_136 = arith.index_cast %parallel_loop3A_131 : i32 to index
        %parallel_loop3A_137 = arith.index_cast %parallel_loop3A_135 : i32 to index
        %parallel_loop3A_138 = tpu.vector_load %arg5[%parallel_loop3A_136, %parallel_loop3A_137] {strides = array<i32>} : memref<64x512xf32, #tpu.memory_space<vmem>>, vector<16xf32>,
        %parallel_loop3A_139 = arith.index_cast %parallel_loop3A_131 : i32 to index
        %parallel_loop3A_140 = arith.index_cast %parallel_loop3A_135 : i32 to index
        %parallel_loop3A_141 = tpu.vector_load %arg6[%parallel_loop3A_139, %parallel_loop3A_140] {strides = array<i32>} : memref<64x512xi32, #tpu.memory_space<vmem>>, vector<16xi32>,
        %parallel_loop3A_142 = arith.constant 6.400000e+01 : f32
        %parallel_loop3A_143 = vector.broadcast %parallel_loop3A_142 : f32 to vector<16xf32>
        %parallel_loop3A_144 = arith.mulf %parallel_loop3A_138, %parallel_loop3A_143 : vector<16xf32>
        %parallel_loop3A_145 = vector.bitcast %parallel_loop3A_144 : vector<16xf32> to vector<16xi32>
        %parallel_loop3A_146 = arith.constant 31 : i32
        %parallel_loop3A_147 = vector.broadcast %parallel_loop3A_146 : i32 to vector<16xi32>
        %parallel_loop3A_148 = arith.shli %parallel_loop3A_141, %parallel_loop3A_147 : vector<16xi32>
        %parallel_loop3A_149 = arith.xori %parallel_loop3A_145, %parallel_loop3A_148 : vector<16xi32>
        %parallel_loop3A_150 = vector.bitcast %parallel_loop3A_149 : vector<16xi32> to vector<16xf32>
        %parallel_loop3A_151 = vector.broadcast %add3A_104 : f32 to vector<16xf32>
        %parallel_loop3A_152 = arith.addf %parallel_loop3A_150, %parallel_loop3A_151 : vector<16xf32>
        %parallel_loop3A_153 = vector.bitcast %parallel_loop3A_152 : vector<16xf32> to vector<16xi32>
        %parallel_loop3A_154 = arith.constant 7 : i32
        %parallel_loop3A_155 = vector.broadcast %parallel_loop3A_154 : i32 to vector<16xi32>
        %parallel_loop3A_156 = arith.shrsi %parallel_loop3A_153, %parallel_loop3A_155 : vector<16xi32>
        %parallel_loop3A_157 = arith.constant 15 : i32
        %parallel_loop3A_158 = vector.broadcast %parallel_loop3A_157 : i32 to vector<16xi32>
        %parallel_loop3A_159 = arith.andi %parallel_loop3A_156, %parallel_loop3A_158 : vector<16xi32>
        %parallel_loop3A_160 = arith.constant 127 : i32
        %parallel_loop3A_161 = vector.broadcast %parallel_loop3A_160 : i32 to vector<16xi32>
        %parallel_loop3A_162 = arith.andi %parallel_loop3A_153, %parallel_loop3A_161 : vector<16xi32>
        %parallel_loop3A_163 = arith.constant 15 : i32
        %parallel_loop3A_164 = vector.broadcast %parallel_loop3A_163 : i32 to vector<16xi32>
        %parallel_loop3A_165 = arith.shli %parallel_loop3A_141, %parallel_loop3A_164 : vector<16xi32>
        %parallel_loop3A_166 = arith.constant 1 : i32
        %parallel_loop3A_167 = vector.broadcast %parallel_loop3A_166 : i32 to vector<16xi32>
        %parallel_loop3A_168 = arith.addi %parallel_loop3A_167, %parallel_loop3A_165 : vector<16xi32>
        tpu.vector_store_idx %arg7[%parallel_loop3A_159, %parallel_loop3A_162], %parallel_loop3A_168 {add = true} : memref<16x128xi32, #tpu.memory_space<vmem>>[vector<16xi32>, vector<16xi32>], vector<16xi32>,
      } {sc.loop_unroll_factor = 8 : i64, sc.parallel_access}
      %gt3A = arith.constant 0 : i32
      %gt3A_108 = arith.cmpi sgt, %scan3A_52, %gt3A : i32
      %convert_element_type3A_109 = arith.extui %gt3A_108 : i1 to i32
      %cond3A_110 = arith.constant 0 : i32
      %cond3A_111 = arith.cmpi ne, %convert_element_type3A_109, %cond3A_110 : i32
      scf.if %cond3A_111 {
        %sub3A_126 = arith.constant 1 : i32
        %sub3A_127 = arith.subi %sub3A_126, %select_n3A_64 : i32
        %mul3A_128 = arith.constant 8 : i32
        %mul3A_129 = arith.muli %sub3A_127, %mul3A_128 : i32
        %sub3A_130 = arith.constant 1 : i32
        %sub3A_131 = arith.subi %add3A_55, %sub3A_130 : i32
        %dma_wait3A_132 = arith.constant 0 : i32
        %dma_wait3A_133 = tpu.memref_slice %arg7[%mul3A_129, %dma_wait3A_132] : memref<16x128xi32, #tpu.memory_space<vmem>> -> memref<8x128xi32, #tpu.memory_space<vmem>>
        %dma_wait3A_134 = arith.constant 0 : i32
        %dma_wait3A_135 = arith.constant 0 : i32
        %dma_wait3A_136 = tpu.memref_slice %arg4[%sub3A_131, %arg1, %dma_wait3A_134, %dma_wait3A_135] : memref<12x16x8x128xi32, #tpu.memory_space<hbm>> -> memref<1x1x8x128xi32, #tpu.memory_space<hbm>>
        %dma_wait3A_137 = tpu.memref_squeeze %dma_wait3A_136 : memref<1x1x8x128xi32, #tpu.memory_space<hbm>> -> memref<8x128xi32, #tpu.memory_space<hbm>>
        %dma_wait3A_138 = arith.constant 0 : i32
        %dma_wait3A_139 = arith.constant 0 : i32
        %dma_wait3A_140 = tpu.memref_slice %arg4[%sub3A_131, %arg1, %dma_wait3A_138, %dma_wait3A_139] : memref<12x16x8x128xi32, #tpu.memory_space<hbm>> -> memref<1x1x8x128xi32, #tpu.memory_space<hbm>>
        %dma_wait3A_141 = tpu.memref_squeeze %dma_wait3A_140 : memref<1x1x8x128xi32, #tpu.memory_space<hbm>> -> memref<8x128xi32, #tpu.memory_space<hbm>>
        %dma_wait3A_142 = arith.constant 0 : i32
        %dma_wait3A_143 = tpu.memref_slice %arg7[%mul3A_129, %dma_wait3A_142] : memref<16x128xi32, #tpu.memory_space<vmem>> -> memref<8x128xi32, #tpu.memory_space<vmem>>
        tpu.wait_dma2 semaphore(%arg10 : memref<!tpu.dma_semaphore, #tpu.memory_space<semaphore_mem>>) src(%dma_wait3A_143 : memref<8x128xi32, #tpu.memory_space<vmem>>) dst(%dma_wait3A_141 : memref<8x128xi32, #tpu.memory_space<hbm>>)
      } else {
      }
      %mul3A_112 = arith.constant 8 : i32
      %mul3A_113 = arith.muli %select_n3A_64, %mul3A_112 : i32
      %dma_start3A_114 = arith.constant 0 : i32
      %dma_start3A_115 = tpu.memref_slice %arg7[%mul3A_113, %dma_start3A_114] : memref<16x128xi32, #tpu.memory_space<vmem>> -> memref<8x128xi32, #tpu.memory_space<vmem>>
      %dma_start3A_116 = arith.constant 0 : i32
      %dma_start3A_117 = arith.constant 0 : i32
      %dma_start3A_118 = tpu.memref_slice %arg4[%add3A_55, %arg1, %dma_start3A_116, %dma_start3A_117] : memref<12x16x8x128xi32, #tpu.memory_space<hbm>> -> memref<1x1x8x128xi32, #tpu.memory_space<hbm>>
      %dma_start3A_119 = tpu.memref_squeeze %dma_start3A_118 : memref<1x1x8x128xi32, #tpu.memory_space<hbm>> -> memref<8x128xi32, #tpu.memory_space<hbm>>
      %dma_start3A_120 = arith.constant 0 : i32
      %dma_start3A_121 = arith.constant 0 : i32
      %dma_start3A_122 = tpu.memref_slice %arg4[%add3A_55, %arg1, %dma_start3A_120, %dma_start3A_121] : memref<12x16x8x128xi32, #tpu.memory_space<hbm>> -> memref<1x1x8x128xi32, #tpu.memory_space<hbm>>
      %dma_start3A_123 = tpu.memref_squeeze %dma_start3A_122 : memref<1x1x8x128xi32, #tpu.memory_space<hbm>> -> memref<8x128xi32, #tpu.memory_space<hbm>>
      %dma_start3A_124 = arith.constant 0 : i32
      %dma_start3A_125 = tpu.memref_slice %arg7[%mul3A_113, %dma_start3A_124] : memref<16x128xi32, #tpu.memory_space<vmem>> -> memref<8x128xi32, #tpu.memory_space<vmem>>
      tpu.enqueue_dma source(%dma_start3A_125 : memref<8x128xi32, #tpu.memory_space<vmem>>) target(%dma_start3A_123 : memref<8x128xi32, #tpu.memory_space<hbm>>) target_semaphore(%arg10 : memref<!tpu.dma_semaphore, #tpu.memory_space<semaphore_mem>>)
    }
    %scan3A_33 = arith.constant 6 : i32
    %mul3A_34 = arith.constant 6 : i32
    %mul3A_35 = arith.muli %arg0, %mul3A_34 : i32
    %add3A_36 = arith.constant 6 : i32
    %add3A_37 = arith.addi %mul3A_35, %add3A_36 : i32
    %sub3A = arith.constant 1 : i32
    %sub3A_38 = arith.subi %add3A_37, %sub3A : i32
    %dma_wait3A = arith.constant 8 : i32
    %dma_wait3A_39 = arith.constant 0 : i32
    %dma_wait3A_40 = tpu.memref_slice %arg7[%dma_wait3A, %dma_wait3A_39] : memref<16x128xi32, #tpu.memory_space<vmem>> -> memref<8x128xi32, #tpu.memory_space<vmem>>
    %dma_wait3A_41 = arith.constant 0 : i32
    %dma_wait3A_42 = arith.constant 0 : i32
    %dma_wait3A_43 = tpu.memref_slice %arg4[%sub3A_38, %arg1, %dma_wait3A_41, %dma_wait3A_42] : memref<12x16x8x128xi32, #tpu.memory_space<hbm>> -> memref<1x1x8x128xi32, #tpu.memory_space<hbm>>
    %dma_wait3A_44 = tpu.memref_squeeze %dma_wait3A_43 : memref<1x1x8x128xi32, #tpu.memory_space<hbm>> -> memref<8x128xi32, #tpu.memory_space<hbm>>
    %dma_wait3A_45 = arith.constant 0 : i32
    %dma_wait3A_46 = arith.constant 0 : i32
    %dma_wait3A_47 = tpu.memref_slice %arg4[%sub3A_38, %arg1, %dma_wait3A_45, %dma_wait3A_46] : memref<12x16x8x128xi32, #tpu.memory_space<hbm>> -> memref<1x1x8x128xi32, #tpu.memory_space<hbm>>
    %dma_wait3A_48 = tpu.memref_squeeze %dma_wait3A_47 : memref<1x1x8x128xi32, #tpu.memory_space<hbm>> -> memref<8x128xi32, #tpu.memory_space<hbm>>
    %dma_wait3A_49 = arith.constant 8 : i32
    %dma_wait3A_50 = arith.constant 0 : i32
    %dma_wait3A_51 = tpu.memref_slice %arg7[%dma_wait3A_49, %dma_wait3A_50] : memref<16x128xi32, #tpu.memory_space<vmem>> -> memref<8x128xi32, #tpu.memory_space<vmem>>
    tpu.wait_dma2 semaphore(%arg10 : memref<!tpu.dma_semaphore, #tpu.memory_space<semaphore_mem>>) src(%dma_wait3A_51 : memref<8x128xi32, #tpu.memory_space<vmem>>) dst(%dma_wait3A_48 : memref<8x128xi32, #tpu.memory_space<hbm>>)
    return
  }
}

module attributes {stable_mosaic.version = 14 : i64} {
  func.func @_tc_body(%arg0: memref<12x16x8x128xi32, #tpu.memory_space<vmem>>, %arg1: memref<1x1xf32, #tpu.memory_space<vmem>>) attributes {dimension_semantics = [], scalar_prefetch = 0 : i64, scratch_operands = 0 : i64, tpu.core_type = #tpu.core_type<tc>} {
    %get3A = arith.constant 0 : index
    %get3A_0 = arith.constant 0 : index
    %get3A_1 = arith.constant 0 : index
    %get3A_2 = arith.constant 0 : index
    %get3A_3 = vector.load %arg0[%get3A, %get3A_0, %get3A_1, %get3A_2] : memref<12x16x8x128xi32, #tpu.memory_space<vmem>>, vector<12x16x8x128xi32>
    %and3A = arith.constant 32767 : i32
    %and3A_4 = vector.broadcast %and3A : i32 to vector<12x16x8x128xi32>
    %and3A_5 = arith.andi %get3A_3, %and3A_4 : vector<12x16x8x128xi32>
    %reduce_sum3A = arith.constant dense<0> : vector<12x8x128xi32>
    %reduce_sum3A_6 = vector.multi_reduction <add>, %and3A_5, %reduce_sum3A [1] : vector<12x16x8x128xi32> to vector<12x8x128xi32>
    %convert_element_type3A = arith.sitofp %reduce_sum3A_6 : vector<12x8x128xi32> to vector<12x8x128xf32>
    %shift_right_arithmetic3A = arith.constant 15 : i32
    %shift_right_arithmetic3A_7 = vector.broadcast %shift_right_arithmetic3A : i32 to vector<12x16x8x128xi32>
    %shift_right_arithmetic3A_8 = arith.shrsi %get3A_3, %shift_right_arithmetic3A_7 : vector<12x16x8x128xi32>
    %reduce_sum3A_9 = arith.constant dense<0> : vector<12x8x128xi32>
    %reduce_sum3A_10 = vector.multi_reduction <add>, %shift_right_arithmetic3A_8, %reduce_sum3A_9 [1] : vector<12x16x8x128xi32> to vector<12x8x128xi32>
    %convert_element_type3A_11 = arith.sitofp %reduce_sum3A_10 : vector<12x8x128xi32> to vector<12x8x128xf32>
    %iota3A = tpu.iota {dimensions = array<i32: 0>} : vector<128x128xi32>
    %iota3A_12 = tpu.iota {dimensions = array<i32: 1>} : vector<128x128xi32>
    %le3A = arith.cmpi sle, %iota3A, %iota3A_12 : vector<128x128xi32>
    %convert_element_type3A_13 = arith.extui %le3A : vector<128x128xi1> to vector<128x128xi32>
    %convert_element_type3A_14 = arith.sitofp %convert_element_type3A_13 : vector<128x128xi32> to vector<128x128xf32>
    %iota3A_15 = tpu.iota {dimensions = array<i32: 0>} : vector<8x8xi32>
    %iota3A_16 = tpu.iota {dimensions = array<i32: 1>} : vector<8x8xi32>
    %gt3A = arith.cmpi sgt, %iota3A_15, %iota3A_16 : vector<8x8xi32>
    %convert_element_type3A_17 = arith.extui %gt3A : vector<8x8xi1> to vector<8x8xi32>
    %convert_element_type3A_18 = arith.sitofp %convert_element_type3A_17 : vector<8x8xi32> to vector<8x8xf32>
    %dot_general3A = arith.constant dense<0.000000e+00> : vector<12x8x128xf32>
    %dot_general3A_19 = tpu.matmul %convert_element_type3A, %convert_element_type3A_14, %dot_general3A {dimension_numbers = #tpu.dot_dimension_numbers<[2], [0], [0, 1], [1], [0, 0, 0, 1, 1, 1], [], []>, transpose_lhs_hint = false} : vector<12x8x128xf32>, vector<128x128xf32>, vector<12x8x128xf32> -> vector<12x8x128xf32>
    %slice3A = vector.extract_strided_slice %dot_general3A_19 {offsets = [0, 0, 127], sizes = [12, 8, 1], strides = [1, 1, 1]} : vector<12x8x128xf32> to vector<12x8x1xf32>
    %squeeze3A = vector.shape_cast %slice3A : vector<12x8x1xf32> to vector<12x8xf32>
    %dot_general3A_20 = arith.constant dense<0.000000e+00> : vector<12x8xf32>
    %dot_general3A_21 = tpu.matmul %squeeze3A, %convert_element_type3A_18, %dot_general3A_20 {dimension_numbers = #tpu.dot_dimension_numbers<[1], [1], [0], [0], [0, 0, 1, 0], [], []>, transpose_lhs_hint = false} : vector<12x8xf32>, vector<8x8xf32>, vector<12x8xf32> -> vector<12x8xf32>
    %broadcast_in_dim3A = vector.shape_cast %dot_general3A_21 : vector<12x8xf32> to vector<12x8x1xf32>
    %add3A = vector.broadcast %broadcast_in_dim3A : vector<12x8x1xf32> to vector<12x8x128xf32>
    %add3A_22 = arith.addf %dot_general3A_19, %add3A : vector<12x8x128xf32>
    %dot_general3A_23 = arith.constant dense<0.000000e+00> : vector<12x8x128xf32>
    %dot_general3A_24 = tpu.matmul %convert_element_type3A_11, %convert_element_type3A_14, %dot_general3A_23 {dimension_numbers = #tpu.dot_dimension_numbers<[2], [0], [0, 1], [1], [0, 0, 0, 1, 1, 1], [], []>, transpose_lhs_hint = false} : vector<12x8x128xf32>, vector<128x128xf32>, vector<12x8x128xf32> -> vector<12x8x128xf32>
    %slice3A_25 = vector.extract_strided_slice %dot_general3A_24 {offsets = [0, 0, 127], sizes = [12, 8, 1], strides = [1, 1, 1]} : vector<12x8x128xf32> to vector<12x8x1xf32>
    %squeeze3A_26 = vector.shape_cast %slice3A_25 : vector<12x8x1xf32> to vector<12x8xf32>
    %dot_general3A_27 = arith.constant dense<0.000000e+00> : vector<12x8xf32>
    %dot_general3A_28 = tpu.matmul %squeeze3A_26, %convert_element_type3A_18, %dot_general3A_27 {dimension_numbers = #tpu.dot_dimension_numbers<[1], [1], [0], [0], [0, 0, 1, 0], [], []>, transpose_lhs_hint = false} : vector<12x8xf32>, vector<8x8xf32>, vector<12x8xf32> -> vector<12x8xf32>
    %broadcast_in_dim3A_29 = vector.shape_cast %dot_general3A_28 : vector<12x8xf32> to vector<12x8x1xf32>
    %add3A_30 = vector.broadcast %broadcast_in_dim3A_29 : vector<12x8x1xf32> to vector<12x8x128xf32>
    %add3A_31 = arith.addf %dot_general3A_24, %add3A_30 : vector<12x8x128xf32>
    %slice3A_32 = vector.extract_strided_slice %add3A_22 {offsets = [0, 7, 127], sizes = [12, 1, 1], strides = [1, 1, 1]} : vector<12x8x128xf32> to vector<12x1x1xf32>
    %slice3A_33 = vector.extract_strided_slice %add3A_31 {offsets = [0, 7, 127], sizes = [12, 1, 1], strides = [1, 1, 1]} : vector<12x8x128xf32> to vector<12x1x1xf32>
    %sub3A = vector.broadcast %slice3A_32 : vector<12x1x1xf32> to vector<12x8x128xf32>
    %sub3A_34 = arith.subf %sub3A, %add3A_22 : vector<12x8x128xf32>
    %sub3A_35 = vector.broadcast %slice3A_33 : vector<12x1x1xf32> to vector<12x8x128xf32>
    %sub3A_36 = arith.subf %sub3A_35, %add3A_31 : vector<12x8x128xf32>
    %add3A_37 = vector.broadcast %slice3A_33 : vector<12x1x1xf32> to vector<12x8x128xf32>
    %add3A_38 = arith.addf %add3A_37, %sub3A_34 : vector<12x8x128xf32>
    %sub3A_39 = arith.subf %add3A_38, %sub3A_36 : vector<12x8x128xf32>
    %sub3A_40 = arith.subf %convert_element_type3A, %convert_element_type3A_11 : vector<12x8x128xf32>
    %add3A_41 = arith.addf %sub3A_39, %sub3A_40 : vector<12x8x128xf32>
    %sub3A_42 = vector.broadcast %slice3A_33 : vector<12x1x1xf32> to vector<12x8x128xf32>
    %sub3A_43 = arith.subf %sub3A_42, %sub3A_36 : vector<12x8x128xf32>
    %sub3A_44 = arith.subf %convert_element_type3A, %convert_element_type3A_11 : vector<12x8x128xf32>
    %mul3A = arith.mulf %sub3A_43, %sub3A_44 : vector<12x8x128xf32>
    %mul3A_45 = arith.mulf %convert_element_type3A_11, %sub3A_39 : vector<12x8x128xf32>
    %add3A_46 = arith.addf %mul3A, %mul3A_45 : vector<12x8x128xf32>
    %mul3A_47 = arith.mulf %sub3A_39, %add3A_41 : vector<12x8x128xf32>
    %max3A = arith.constant 1.000000e+00 : f32
    %max3A_48 = vector.broadcast %max3A : f32 to vector<12x8x128xf32>
    %max3A_49 = arith.maximumf %mul3A_47, %max3A_48 : vector<12x8x128xf32>
    %div3A = arith.divf %add3A_46, %max3A_49 : vector<12x8x128xf32>
    %eq3A = arith.constant 0.000000e+00 : f32
    %eq3A_50 = vector.broadcast %eq3A : f32 to vector<12x8x128xf32>
    %eq3A_51 = arith.cmpf oeq, %sub3A_34, %eq3A_50 : vector<12x8x128xf32>
    %gt3A_52 = arith.constant 0.000000e+00 : f32
    %gt3A_53 = vector.broadcast %gt3A_52 : f32 to vector<12x8x128xf32>
    %gt3A_54 = arith.cmpf ogt, %convert_element_type3A, %gt3A_53 : vector<12x8x128xf32>
    %and3A_55 = arith.andi %eq3A_51, %gt3A_54 : vector<12x8x128xi1>
    %jit3A = arith.constant 1.000000e+00 : f32
    %jit3A_56 = arith.constant 0.000000e+00 : f32
    %broadcast_in_dim3A_57 = vector.broadcast %jit3A : f32 to vector<12x8x128xf32>
    %broadcast_in_dim3A_58 = vector.broadcast %jit3A_56 : f32 to vector<12x8x128xf32>
    %select_n3A = arith.select %and3A_55, %broadcast_in_dim3A_57, %broadcast_in_dim3A_58 : vector<12x8x128xi1>, vector<12x8x128xf32>
    %eq3A_59 = arith.constant 0.000000e+00 : f32
    %eq3A_60 = vector.broadcast %eq3A_59 : f32 to vector<12x1x1xf32>
    %eq3A_61 = arith.cmpf oeq, %slice3A_33, %eq3A_60 : vector<12x1x1xf32>
    %broadcast_in_dim3A_62 = vector.shape_cast %eq3A_61 : vector<12x1x1xi1> to vector<12x1x1xi1>
    %broadcast_in_dim3A_63 = vector.broadcast %broadcast_in_dim3A_62 : vector<12x1x1xi1> to vector<12x8x128xi1>
    %select_n3A_64 = arith.select %broadcast_in_dim3A_63, %select_n3A, %div3A : vector<12x8x128xi1>, vector<12x8x128xf32>
    %iota3A_65 = tpu.iota {dimensions = array<i32: 0>} : vector<8x128xi32>
    %iota3A_66 = tpu.iota {dimensions = array<i32: 1>} : vector<8x128xi32>
    %mul3A_67 = arith.constant 128 : i32
    %mul3A_68 = vector.broadcast %mul3A_67 : i32 to vector<8x128xi32>
    %mul3A_69 = arith.muli %iota3A_65, %mul3A_68 : vector<8x128xi32>
    %add3A_70 = arith.addi %mul3A_69, %iota3A_66 : vector<8x128xi32>
    %convert_element_type3A_71 = arith.sitofp %add3A_70 : vector<8x128xi32> to vector<8x128xf32>
    %div3A_72 = arith.constant 6.400000e+01 : f32
    %div3A_73 = vector.broadcast %div3A_72 : f32 to vector<8x128xf32>
    %div3A_74 = arith.divf %convert_element_type3A_71, %div3A_73 : vector<8x128xf32>
    %add3A_75 = arith.constant -7.000000e+00 : f32
    %add3A_76 = vector.broadcast %add3A_75 : f32 to vector<8x128xf32>
    %add3A_77 = arith.addf %add3A_76, %div3A_74 : vector<8x128xf32>
    %max3A_78 = arith.constant 0.000000e+00 : f32
    %max3A_79 = vector.broadcast %max3A_78 : f32 to vector<8x128xf32>
    %max3A_80 = arith.maximumf %add3A_77, %max3A_79 : vector<8x128xf32>
    %broadcast_in_dim3A_81 = vector.shape_cast %max3A_80 : vector<8x128xf32> to vector<1x8x128xf32>
    %mul3A_82 = vector.broadcast %broadcast_in_dim3A_81 : vector<1x8x128xf32> to vector<12x8x128xf32>
    %mul3A_83 = arith.mulf %mul3A_82, %select_n3A_64 : vector<12x8x128xf32>
    %reduce_sum3A_84 = vector.shape_cast %mul3A_83 : vector<12x8x128xf32> to vector<1x12x8x128xf32>
    %reduce_sum3A_85 = arith.constant dense<0.000000e+00> : vector<1xf32>
    %reduce_sum3A_86 = vector.multi_reduction <add>, %reduce_sum3A_84, %reduce_sum3A_85 [1, 2, 3] : vector<1x12x8x128xf32> to vector<1xf32>
    %reduce_sum3A_87 = vector.shape_cast %reduce_sum3A_86 : vector<1xf32> to vector<1x1x1x1xf32>
    %reduce_sum3A_88 = vector.extract %reduce_sum3A_87[0, 0, 0, 0] : f32 from vector<1x1x1x1xf32>
    %div3A_89 = arith.constant 1.200000e+01 : f32
    %div3A_90 = arith.divf %reduce_sum3A_88, %div3A_89 : f32
    %broadcast_in_dim3A_91 = vector.broadcast %div3A_90 : f32 to vector<1x1xf32>
    %swap3A = arith.constant 0 : index
    %swap3A_92 = arith.constant 0 : index
    %swap3A_93 = vector.load %arg1[%swap3A, %swap3A_92] : memref<1x1xf32, #tpu.memory_space<vmem>>, vector<1x1xf32>
    tpu.vector_store %arg1[%swap3A, %swap3A_92], %broadcast_in_dim3A_91 {strides = array<i32>} : memref<1x1xf32, #tpu.memory_space<vmem>>, vector<1x1xf32>,
    return
  }
}

</mosaic_0001>

<sc_bundles>
// kernel: kernel.4.cloned.1.call-start
scs
__scs_entry_jumppad:
0x0: {  	(pc) =	sbr.rel $0x88, $3  }
0x1: {  	(tag) =	ssettag $0x0;
	lr =	simm.s32 $0x1  }
0x2: {  	[smem:$0x3F9F] =	sst lr;
	_ =	strace $0xD0000000  }
0x3: {  	_ = 	snop  }
0x4: {  	_ = 	snop  }
0x5: {  	_ = 	snop  }
0x6: {  	_ = 	snop  }
0x7: {  	_ = 	snop  }
__scs_overlays_trampoline_lowered:
0x8: {  	[smem:$0x3FAE] =	sst s0  }
0x9: {  	[smem:$0x3FAF] =	sst s1  }
0xa: {  	[smem:$0x3FB0] =	sst s2  }
0xb: {  	[smem:$0x3FB1] =	sst s3  }
0xc: {  	[smem:$0x3FB2] =	sst s4  }
0xd: {  	[smem:$0x3FB3] =	sst s5  }
0xe: {  	[smem:$0x3FB4] =	sst s6  }
0xf: {  	[smem:$0x3FB5] =	sst s7  }
0x10: {  	[smem:$0x3FB6] =	sst s8  }
0x11: {  	[smem:$0x3FB7] =	sst s9;
	s0 =	simm.s32 @!p0 $0x0  }
0x12: {  	s1 =	sld [smem:$0x3F9D];
	s0 =	simm.s32 @p0 $0x1  }
0x13: {  	[smem:$0x3FB8] =	sst s0;
	s0 =	simm.s32 @!p1 $0x0  }
0x14: {  	s2 =	sld [smem:$0x3F9C];
	s0 =	simm.s32 @p1 $0x1  }
0x15: {  	[smem:$0x3FB9] =	sst s0;
	s0 =	simm.s32 @!p2 $0x0  }
0x16: {  	s3 =	sld [smem:$0x3FDB];
	s0 =	simm.s32 @p2 $0x1  }
0x17: {  	s4 =	simm.s32 $0x1BF5;
	[smem:$0x3FBB] =	sst s0  }
0x18: {  	s0 =	sld [smem:$0x3F9E];
	_ =	swait.ge [sflag:s4], $0x0  }
0x19: {  	s7 =	sld [smem:$0x3F9F]  }
0x1a: {  	s8 =	sadd.s32 $0xFFFFE003, lr  }
0x1b: {  	s9 =	sadd.s32 $0xFFFFFEF7, lr;
	s5 =	simm.s32 $0xFFFFFFFF;
	p2 =	slt.u32 s8, $0xFFFFF086  }
0x1c: {  	p1 =	slt.u32 s9, $0xF7A;
	s5 =	simm.s32 @!p2 $0x0  }
0x1d: {  	s5 =	simm.s32 @p1 $0x1;
	p0 =	seq.s32 s7, s2  }
0x1e: {  	s7 =	smul.u32 @!p0 $0xF7A, s2;
	p2 =	seq.s32 @!p0 s5, $0x0  }
0x1f: {  	s9 =	smul.u32 $0xF7A, s1;
	s8 =	simm.s32 @!p0 $0x1BF5;
	p2 =	por !p2, p0  }
0x20: {  	[sflag:s8] =	ssyncset.s32 @!p0 $0xFFFFF086;
	s6 =	sadd.s32 @!p0 s3, s7;
	s7 =	simm.s32 @!p0 $0x108  }
0x21: {  	s3 =	sadd.s32 s3, s9;
	s6 =	sadd.s32 @!p0 $0x88, s6;
	s7 =	simm.s32 @p2 $0x1082  }
0x22: {  	[simem:s7], [sflag:s8] =	dma.local @!p0 [hbm:s6], $0xF7A  }
0x23: {  	s9 =	sor.u32 $0xD0000000, s2;
	s6 =	simm.s32 $0x108;
	_ =	swait.ge @!p0 [sflag:s8], $0x0  }
0x24: {  	s3 =	sadd.s32 $0x88, s3;
	s6 =	simm.s32 @!p1 $0x1082;
	[sflag:s4] =	ssyncset.s32 $0xFFFFF086  }
0x25: {  	[simem:s6], [sflag:s4] =	dma.local [hbm:s3], $0xF7A  }
0x26: {  	[smem:$0x3F9F] =	sst s1;
	(tag) =	ssettag s2;
	_ =	strace s9  }
0x27: {  	s1 =	sld [smem:$0x3FAF]  }
0x28: {  	s2 =	sld [smem:$0x3FB0]  }
0x29: {  	s4 =	sld [smem:$0x3FB2]  }
0x2a: {  	p0 =	seq.s32 s5, $0x0;
	s5 =	sld [smem:$0x3FB3]  }
0x2b: {  	s6 =	sld [smem:$0x3FB4]  }
0x2c: {  	s7 =	sld [smem:$0x3FB5]  }
0x2d: {  	s3 =	simm.s32 $0x108;
	s8 =	sld [smem:$0x3FB6]  }
0x2e: {  	s3 =	simm.s32 @!p0 $0x1082;
	s9 =	sld [smem:$0x3FB7]  }
0x2f: {  	lr =	sadd.s32 s0, s3;
	s0 =	sld [smem:$0x3FAE]  }
0x30: {  	s3 =	sld [smem:$0x3FB1]  }
0x31: {  	[smem:$0x3FBA] =	sst s10  }
0x32: {  	s10 =	sld [smem:$0x3FB8];
	_ =	sdelay $0x3  }
0x33: {  	p0 =	seq.s32 s10, $0x1;
	s10 =	sld [smem:$0x3FBA];
	_ =	sdelay $0x3  }
0x34: {  	[smem:$0x3FBA] =	sst s10  }
0x35: {  	s10 =	sld [smem:$0x3FB9];
	_ =	sdelay $0x3  }
0x36: {  	p1 =	seq.s32 s10, $0x1;
	s10 =	sld [smem:$0x3FBA];
	_ =	sdelay $0x3  }
0x37: {  	[smem:$0x3FBA] =	sst s10  }
0x38: {  	s10 =	sld [smem:$0x3FBB]  }
0x39: {  	_ = 	snop;
	(pc) =	sbr.ind lr, $3  }
0x3a: {  	_ = 	snop  }
0x3b: {  	_ = 	snop  }
0x3c: {  	p2 =	seq.s32 s10, $0x1;
	s10 =	sld [smem:$0x3FBA]  }
0x3d: {  	_ =	shalt  }
0x3e: {  	_ =	shalt  }
0x3f: {  	_ =	shalt  }
0x40: {  	_ =	shalt  }
0x41: {  	_ =	shalt  }
0x42: {  	_ =	shalt  }
0x43: {  	_ =	shalt  }
0x44: {  	_ =	shalt  }
0x45: {  	_ =	shalt  }
0x46: {  	_ =	shalt  }
0x47: {  	_ =	shalt  }
0x48: {  	_ =	shalt  }
0x49: {  	_ =	shalt  }
0x4a: {  	_ =	shalt  }
0x4b: {  	_ =	shalt  }
0x4c: {  	_ =	shalt  }
0x4d: {  	_ =	shalt  }
0x4e: {  	_ =	shalt  }
0x4f: {  	_ =	shalt  }
0x50: {  	_ =	shalt  }
0x51: {  	_ =	shalt  }
0x52: {  	_ =	shalt  }
0x53: {  	_ =	shalt  }
0x54: {  	_ =	shalt  }
0x55: {  	_ =	shalt  }
0x56: {  	_ =	shalt  }
0x57: {  	_ =	shalt  }
0x58: {  	_ =	shalt  }
0x59: {  	_ =	shalt  }
0x5a: {  	_ =	shalt  }
0x5b: {  	_ =	shalt  }
0x5c: {  	_ =	shalt  }
0x5d: {  	_ =	shalt  }
0x5e: {  	_ =	shalt  }
0x5f: {  	_ =	shalt  }
0x60: {  	_ =	shalt  }
0x61: {  	_ =	shalt  }
0x62: {  	_ =	shalt  }
0x63: {  	_ =	shalt  }
0x64: {  	_ =	shalt  }
0x65: {  	_ =	shalt  }
0x66: {  	_ =	shalt  }
0x67: {  	_ =	shalt  }
0x68: {  	_ =	shalt  }
0x69: {  	_ =	shalt  }
0x6a: {  	_ =	shalt  }
0x6b: {  	_ =	shalt  }
0x6c: {  	_ =	shalt  }
0x6d: {  	_ =	shalt  }
0x6e: {  	_ =	shalt  }
0x6f: {  	_ =	shalt  }
0x70: {  	_ =	shalt  }
0x71: {  	_ =	shalt  }
0x72: {  	_ =	shalt  }
0x73: {  	_ =	shalt  }
0x74: {  	_ =	shalt  }
0x75: {  	_ =	shalt  }
0x76: {  	_ =	shalt  }
0x77: {  	_ =	shalt  }
0x78: {  	_ =	shalt  }
0x79: {  	_ =	shalt  }
0x7a: {  	_ =	shalt  }
0x7b: {  	_ =	shalt  }
0x7c: {  	_ =	shalt  }
0x7d: {  	_ =	shalt  }
0x7e: {  	_ =	shalt  }
0x7f: {  	_ =	shalt  }
0x80: {  	_ =	shalt  }
0x81: {  	_ =	shalt  }
0x82: {  	_ =	shalt  }
0x83: {  	_ =	shalt  }
0x84: {  	_ =	shalt  }
0x85: {  	_ =	shalt  }
0x86: {  	_ =	shalt  }
0x87: {  	_ =	shalt  }
.Lfunc_end0:
.L_simem_size_0:
called_computation_lowered:
.L_overlay_start_0:
0x88: {  	s2 =	sld [smem:$0x3FD9]  }
0x89: {  	s3 =	sld [smem:$0x3FFE];
	_ =	sdelay $0x1  }
0x8a: {  	s1 =	srdreg.scid  }
0x8b: {  	s0 =	sand.u32 $0x1, s1  }
0x8c: {  	s17 =	sshll.u32 s0, $0xA;
	s2 =	sadd.s32 s3, s2  }
0x8d: {  	s2 =	sadd.s32 s2, s17  }
0x8e: {  	[smem:$0x3FC6] =	sst s2  }
0x8f: {  	_ = 	snop  }
0x90: {  	s2 =	sld [smem:$0x3FC9]  }
0x91: {  	s18 =	sld [smem:$0x3FC8];
	(tm) =	ssettm $0x1  }
0x92: {  	s4 =	sld [smem:$0x3FFB];
	_ =	sdelay $0x3  }
0x93: {  	_ =	strace s4  }
0x94: {  	s4 =	sld [smem:$0x3FFC];
	_ =	sdelay $0x3  }
0x95: {  	_ =	strace s4  }
0x96: {  	s4 =	sld [smem:$0x3FFD];
	_ =	sdelay $0x3  }
0x97: {  	_ =	strace s4  }
0x98: {  	_ =	strace $0x8FFFFFFF  }
0x99: {  	s19 =	sld [smem:$0x3FDB];
	_ =	sdelay $0x1  }
0x9a: {  	s5 =	simm.s32 $_scs_section_size  }
0x9b: {  	s6 =	simm.s32 $_size__tile_overlayer_lowered;
	s7 =	simm.s32 $_tile_overlayer_lowered  }
0x9c: {  	s22 =	simm.s32 $0x1BFF;
	s21 =	sshll.u32 s7, $0x1;
	s4 =	sadd.s32 s5, s19  }
0x9d: {  	s8 =	simm.s32 $0x0;
	s20 =	sshll.u32 s6, $0x1;
	s6 =	sadd.s32 s21, s4  }
0x9e: {  	[timem:s8], [sflag:s22] =	dma.local [hbm:s6], s20  }
0x9f: {  	_ =	swait.ge [sflag:s22], s20  }
0xa0: {  	s5 =	ssub.s32 $0x0, s20;
	[sflag:s22] =	ssyncset.done $0x0  }
0xa1: {  	[sflag:s22] =	ssyncadd.s32 s5;
	_ =	sdelay $0x1  }
0xa2: {  	s23 =	simm.s32 $0x1B8B  }
0xa3: {  	_ =	swait.ge [sflag:s23], $0x1  }
0xa4: {  	[sflag:s23] =	ssyncset.done $0x0  }
0xa5: {  	s25 =	simm.s32 $0x1B8E;
	s24 =	sld [smem:$0x3FFE];
	[sflag:s23] =	ssyncadd.s32 $0xFFFFFFFF  }
0xa6: {  	s26 =	simm.s32 $execute0_lowered;
	[smem:$0x3FD2] =	sst s25  }
0xa7: {  	s6 =	sshll.u32 s26, $0x1;
	_ =	strace $0x80000046;
	[dreg:$0x1] =	wrdreg $0xFFFFFFFF  }
0xa8: {  	s28 =	simm.s32 $_size_execute0_lowered;
	s4 =	sadd.s32 s4, s6;
	[dreg:$0x0] =	wrdreg $0x0  }
0xa9: {  	s6 =	sshll.u32 s28, $0x1;
	[dreg:$0x2] =	wrdreg s4  }
0xaa: {  	[dreg:$0x3] =	wrdreg s6  }
0xab: {  	[dreg:$0x4] =	wrdreg $0xC0  }
0xac: {  	_ =	task [dreg:s8], $0x5FFFF  }
0xad: {  	[dreg:$0x1] =	wrdreg $0xFFFFFFFF  }
0xae: {  	[dreg:$0x0] =	wrdreg $0x60  }
0xaf: {  	[dreg:$0x2] =	wrdreg s2  }
0xb0: {  	[dreg:$0x3] =	wrdreg s18  }
0xb1: {  	[dreg:$0x4] =	wrdreg s24  }
0xb2: {  	[dreg:$0x5] =	wrdreg $0x9  }
0xb3: {  	_ =	task.clear_ibuf [dreg:s8], $0x6FFFF;
	_ =	strace $0x90000046  }
0xb4: {  	s29 =	simm.s32 $0x9;
	_ =	strace $0x80000048  }
0xb5: {  	_ =	swait.ge [sflag:s29], $0x1  }
0xb6: {  	[sflag:s29] =	ssyncadd.s32 $0xFFFFFFFF  }
0xb7: {  	_ =	strace $0x90000048  }
0xb8: {  	_ =	sfence  }
0xb9: {  	s30 =	sld [smem:$0x0];
	_ =	sdelay $0x2  }
0xba: {  	s31 =	sshll.u32 s1, $0xD;
	s1 =	sshrl.u32 s1, $0x2  }
0xbb: {  	s3 =	sand.u32 $0x4000, s31;
	s1 =	sadd.s32 s1, s30  }
0xbc: {  	s0 =	sor.u32 s3, s0;
	s1 =	sshll.u32 s1, $0x11  }
0xbd: {  	s0 =	sor.u32 s1, s0  }
0xbe: {  	s0 =	sadd.s32 $0x8F2B, s0  }
0xbf: {  	[sflag:s0] =	ssyncadd.remote.s32 $0x1  }
0xc0: {  	_ =	sfence.sel $0xFFFF  }
0xc1: {  	[dreg:$0x0] =	wrdreg $0xFFFFFFFF;
	(pc) =	sbr.abs _section_cstart, $3  }
0xc2: {  	[dreg:$0x1] =	wrdreg $0xFFFFFFFF  }
0xc3: {  	_ =	task.clear_ibuf [dreg:s8], $0x2FFFF;
	_ =	strace $0x9FFFFFFF  }
0xc4: {  	(tm) =	ssettm $0x7FFFFFFF  }
0xc5: {  	_ =	shalt  }
tec
execute0_lowered:
.L_overlay_start_1:
0x0: {  	(tag) =	ssettag $0x1  }
0x1: {  	s1 =	rddreg [dreg:$0x0]  }
0x2: {  	s2 =	rddreg [dreg:$0x1]  }
0x3: {  	s6 =	rddreg [dreg:$0x2]  }
0x4: {  	s0 =	rddreg [dreg:$0x3];
	s4 =	simm.s32 $0x0;
	s3 =	srdreg.scid  }
0x5: {  	s11 =	simm.s32 $0x8000;
	s12 =	simm.s32 $0x1;
	s13 =	simm.s32 $0x2  }
0x6: {  	s14 =	simm.s32 $0x10000;
	s15 =	simm.s32 $0x3;
	s16 =	simm.s32 $0x0  }
0x7: {  	[smem:$0x7FF] =	sst s4;
	s7 =	sand.u32 $0x1, s3;
	s3 =	stileid.u32  }
0x8: {  	s8 =	smul.u32 $0x180000, s7;
	_ =	strace $0x80000047;
	s9 =	sshll.u32 s3, $0x7  }
0x9: {  	s5 =	sshll.u32 s3, $0xE;
	s10 =	ssub.s32 $0x2, s7;
	s9 =	sadd.s32 s9, s6  }
0xa: {  	s31 =	sshrl.u32 s10, $0x1;
	s6 =	smul.u32 $0x6, s7;
	s8 =	sor.u32 s5, s8  }
0xb: {  	s10 =	ssub.s32 s10, s31;
	s9 =	sadd.s32 $0x600, s9;
	s8 =	sshrl.u32 s8, $0x3  }
0xc: {  	v0 =	vimm.s32 $0x0;
	s10 =	smax.u32 s10, $0x1;
	s7 =	sadd.s32 s1, s8;
	s8 =	sadd.s32 s2, s8  }
.LBB2_1:
0xd: {  	[tilespmem:s4], [sflag:$0x1] =	stream.linear.gather [hbm4b:s7+s4], $0x4000, $0x38;
	[tilespmem:$0x10800] =	vst v63  }
0xe: {  	p0 =	por $0x0, $0x0;
	s18 =	simm.s32 $0x0  }
0xf: {  	[tilespmem:s11], [sflag:$0x2] =	stream.linear.gather [hbm4b:s8+s4], $0x4000, $0x38;
	[tilespmem:$0x10800] =	vst v63  }
.LBB2_2:
0x10: {  	s17 =	sadd.s32 $0x1, s18;
	p1 =	seq.s32 s18, $0x5  }
0x11: {  	s19 =	sadd.s32 @!p1 s6, s17  }
0x12: {  	s20 =	simm.s32 $0x1;
	s19 =	sshll.u32 @!p1 s19, $0x12  }
0x13: {  	s20 =	simm.s32 @!p0 $0x0;
	s19 =	sor.u32 @!p1 s5, s19  }
0x14: {  	s21 =	sshll.u32 @!p1 s17, $0xE;
	s23 =	simm.s32 @!p1 $0x0;
	s19 =	sshrl.u32 @!p1 s19, $0x3  }
0x15: {  	s20 =	sshll.u32 s20, $0xA;
	s22 =	sand.u32 @!p1 $0x4000, s21;
	s21 =	sadd.s32 @!p1 s1, s19  }
0x16: {  	[tilespmem:s22], [sflag:$0x1] =	stream.linear.gather @!p1 [hbm4b:s21+s23], $0x4000, $0x38;
	[tilespmem:$0x10800] =	vst v63  }
0x17: {  	s19 =	sadd.s32 @!p1 s2, s19;
	s21 =	sor.u32 $0x10040, s20;
	s20 =	sor.u32 @!p1 $0x8000, s22  }
0x18: {  	[tilespmem:s20], [sflag:$0x2] =	stream.linear.gather @!p1 [hbm4b:s19+s23], $0x4000, $0x38;
	[tilespmem:$0x10800] =	vst v63  }
0x19: {  	[tilespmem:s21+$0xFFFFFFC0] =	vst v0  }
0x1a: {  	[tilespmem:s21+$0x30] =	vst v0  }
0x1b: {  	[tilespmem:s21+$0x20] =	vst v0  }
0x1c: {  	[tilespmem:s21+$0x10] =	vst v0  }
0x1d: {  	s31 =	sand.u32 $0x1, s18;
	[tilespmem:s21+$0x0] =	vst v0  }
0x1e: {  	s22 =	sshll.u32 s31, $0xA;
	[tilespmem:s21+$0xFFFFFFF0] =	vst v0  }
0x1f: {  	s20 =	sadd.s32 s6, s18;
	s19 =	sor.u32 $0x10000, s22;
	s23 =	simm.s32 $0x0;
	[tilespmem:s21+$0xFFFFFFE0] =	vst v0  }
.LBB2_3:
0x20: {  	s23 =	sadd.s32 $0x8, s23;
	[tilespmem:s21+$0xFFFFFFD0] =	vst v0;
	s21 =	sadd.s32 $0x80, s21  }
0x21: {  	[tilespmem:s21+$0xFFFFFFC0] =	vst v0;
	p1 =	slt.u32 s23, $0x38  }
0x22: {  	[tilespmem:s21+$0x30] =	vst v0  }
.Ltmp0:
0x23: {  	[tilespmem:s21+$0x20] =	vst v0;
	(pc) =	sbr.rel @p1 .LBB2_3-.Ltmp0, $4  }
0x24: {  	[tilespmem:s21+$0x10] =	vst v0  }
0x25: {  	[tilespmem:s21+$0x0] =	vst v0  }
0x26: {  	[tilespmem:s21+$0xFFFFFFF0] =	vst v0  }
0x27: {  	[tilespmem:s21+$0xFFFFFFE0] =	vst v0  }
0x28: {  	[tilespmem:s21+$0xFFFFFFD0] =	vst v0  }
0x29: {  	s21 =	sshll.u32 s18, $0xE;
	s23 =	simm.s32 $0x0;
	_ =	swait.ge [sflag:s12], $0x4000  }
0x2a: {  	s24 =	simm.s32 $0x0;
	s25 =	simm.s32 $0x0;
	[sflag:s12] =	ssyncset.done $0x0  }
0x2b: {  	s23 =	sand.u32 $0x7E00, s23;
	s24 =	sand.u32 $0xC00, s24;
	[sflag:s12] =	ssyncadd.s32 $0xFFFFC000  }
0x2c: {  	s25 =	sand.u32 $0x380, s25;
	s23 =	sadd.s32 s21, s23;
	_ =	swait.ge [sflag:s13], $0x4000  }
0x2d: {  	s24 =	sor.u32 s24, s25;
	s23 =	sand.u32 $0x7000, s23;
	[sflag:s13] =	ssyncset.done $0x0  }
0x2e: {  	s23 =	sor.u32 s23, s24;
	[sflag:s13] =	ssyncadd.s32 $0xFFFFC000  }
0x2f: {  	v1 =	vld [tilespmem:s23+$0x70]  }
0x30: {  	v2 =	vld [tilespmem:s23+$0x8070]  }
0x31: {  	v3 =	vld [tilespmem:s23+$0x0]  }
0x32: {  	v4 =	vld [tilespmem:s23+$0x10]  }
0x33: {  	v5 =	vld [tilespmem:s23+$0x20]  }
0x34: {  	v6 =	vld [tilespmem:s23+$0x30]  }
0x35: {  	s22 =	sor.u32 $0x800200, s22;
	v7 =	vld [tilespmem:s23+$0x40]  }
0x36: {  	s22 =	scvt.s32.f32 s22;
	v8 =	vld [tilespmem:s23+$0x50];
	v9 =	vmul.f32 $6.400000000e+01, v1  }
0x37: {  	v10 =	vld [tilespmem:s23+$0x60];
	v11 =	vshll.u32 v2, $0x1F  }
0x38: {  	v12 =	vld [tilespmem:s23+$0x8000];
	v1 =	vmov s22;
	v9 =	vxor.u32 v9, v11  }
0x39: {  	v11 =	vld [tilespmem:s23+$0x8010];
	v9 =	vadd.f32 v9, v1  }
0x3a: {  	v13 =	vld [tilespmem:s23+$0x8020]  }
0x3b: {  	v14 =	vld [tilespmem:s23+$0x8030];
	v3 =	vmul.f32 $6.400000000e+01, v3;
	v4 =	vmul.f32 $6.400000000e+01, v4;
	v9 =	vand.u32 $0x7FF, v9  }
0x3c: {  	s26 =	simm.s32 $0x80;
	v5 =	vmul.f32 $6.400000000e+01, v5;
	v6 =	vmul.f32 $6.400000000e+01, v6  }
0x3d: {  	s29 =	simm.s32 $0x20;
	s28 =	sand.u32 $0x7E00, s26;
	v15 =	vld [tilespmem:s23+$0x8040];
	v7 =	vmul.f32 $6.400000000e+01, v7;
	v8 =	vmul.f32 $6.400000000e+01, v8;
	v16 =	vshll.u32 v12, $0x1F;
	s22 =	simm.s32 $0x400  }
0x3e: {  	s30 =	sadd.s32 s21, s28;
	s25 =	sand.u32 $0x380, s29;
	v17 =	vld [tilespmem:s23+$0x8050];
	v2 =	vshll.u32 v2, $0xF;
	s31 =	sand.u32 $0xC00, s22;
	v3 =	vxor.u32 v3, v16;
	v16 =	vshll.u32 v11, $0x1F  }
0x3f: {  	v10 =	vmul.f32 $6.400000000e+01, v10;
	v2 =	vor.u32 $0x1, v2;
	s24 =	sor.u32 s31, s25;
	v4 =	vxor.u32 v4, v16;
	v16 =	vld [tilespmem:s23+$0x8060];
	s23 =	sand.u32 $0x7000, s30  }
0x40: {  	v12 =	vshll.u32 v12, $0xF;
	v18 =	vshll.u32 v13, $0x1F;
	v19 =	vshll.u32 v14, $0x1F;
	s23 =	sor.u32 s23, s24;
	[tilespmem:v9+s14+$0x0] =	vst.idx.add.s32.msk $0xffff, v2  }
0x41: {  	v13 =	vshll.u32 v13, $0xF;
	v14 =	vshll.u32 v14, $0xF;
	v2 =	vxor.u32 v5, v18;
	v18 =	vld [tilespmem:s23+$0x8070]  }
0x42: {  	v3 =	vadd.f32 v3, v1;
	v5 =	vxor.u32 v6, v19;
	v6 =	vshll.u32 v15, $0x1F;
	v19 =	vld [tilespmem:s23+$0x0]  }
0x43: {  	v20 =	vshll.u32 v15, $0xF;
	v30 =	vor.u32 $0x1, v12;
	v6 =	vxor.u32 v7, v6;
	v7 =	vld [tilespmem:s23+$0x70]  }
0x44: {  	v12 =	vor.u32 $0x1, v13;
	v29 =	vand.u32 $0x7FF, v3;
	v11 =	vshll.u32 v11, $0xF;
	v21 =	vld [tilespmem:s23+$0x10]  }
0x45: {  	v4 =	vadd.f32 v4, v1;
	v9 =	vshll.u32 v17, $0x1F;
	v17 =	vshll.u32 v17, $0xF;
	v22 =	vld [tilespmem:s23+$0x20]  }
0x46: {  	v23 =	vld [tilespmem:s23+$0x30];
	v2 =	vadd.f32 v2, v1;
	v5 =	vadd.f32 v5, v1;
	v8 =	vxor.u32 v8, v9  }
0x47: {  	v24 =	vld [tilespmem:s23+$0x40];
	v6 =	vadd.f32 v6, v1;
	v8 =	vadd.f32 v8, v1;
	v9 =	vshll.u32 v16, $0x1F  }
0x48: {  	v25 =	vld [tilespmem:s23+$0x50];
	v16 =	vshll.u32 v16, $0xF;
	v9 =	vxor.u32 v10, v9;
	v15 =	vmul.f32 $6.400000000e+01, v7  }
0x49: {  	v13 =	vld [tilespmem:s23+$0x8000];
	v10 =	vadd.f32 v9, v1;
	v7 =	vand.u32 $0x7FF, v2;
	v2 =	vshll.u32 v18, $0x1F  }
0x4a: {  	v9 =	vand.u32 $0x7FF, v4;
	v4 =	vand.u32 $0x7FF, v6;
	v6 =	vxor.u32 v15, v2  }
0x4b: {  	v27 =	vld [tilespmem:s23+$0x60];
	v5 =	vand.u32 $0x7FF, v5;
	v3 =	vand.u32 $0x7FF, v8;
	v6 =	vadd.f32 v6, v1  }
0x4c: {  	v31 =	vld [tilespmem:s23+$0x8010];
	v8 =	vor.u32 $0x1, v17;
	v28 =	vmul.f32 $6.400000000e+01, v19;
	v21 =	vmul.f32 $6.400000000e+01, v21  }
0x4d: {  	v17 =	vld [tilespmem:s23+$0x8030];
	v33 =	vmul.f32 $6.400000000e+01, v22;
	v26 =	vmul.f32 $6.400000000e+01, v23;
	v32 =	vand.u32 $0x7FF, v6  }
0x4e: {  	v19 =	vld [tilespmem:s23+$0x8020];
	v23 =	vmul.f32 $6.400000000e+01, v24;
	v22 =	vmul.f32 $6.400000000e+01, v25;
	v24 =	vshll.u32 v13, $0x1F  }
0x4f: {  	v13 =	vshll.u32 v13, $0xF;
	v24 =	vxor.u32 v28, v24;
	v15 =	vor.u32 $0x1, v11  }
0x50: {  	v11 =	vor.u32 $0x1, v14;
	v14 =	vld [tilespmem:s23+$0x8040];
	v6 =	vor.u32 $0x1, v16;
	v16 =	vshll.u32 v18, $0xF  }
0x51: {  	v2 =	vand.u32 $0x7FF, v10;
	v10 =	vor.u32 $0x1, v20;
	v18 =	vld [tilespmem:s23+$0x8050];
	v25 =	vor.u32 $0x1, v16  }
0x52: {  	v20 =	vmul.f32 $6.400000000e+01, v27;
	v27 =	vshll.u32 v31, $0x1F;
	v24 =	vadd.f32 v24, v1;
	[tilespmem:v32+s14+$0x0] =	vst.idx.add.s32.msk $0xffff, v25  }
0x53: {  	v28 =	vshll.u32 v17, $0x1F;
	v25 =	vxor.u32 v21, v27;
	v27 =	vshll.u32 v19, $0x1F;
	v21 =	vld [tilespmem:s23+$0x8060]  }
0x54: {  	[tilespmem:v29+s14+$0x0] =	vst.idx.add.s32.msk $0xffff, v30;
	v16 =	vshll.u32 v31, $0xF;
	s23 =	simm.s32 $0x8;
	v25 =	vadd.f32 v25, v1;
	v27 =	vxor.u32 v33, v27  }
.LBB2_5:
0x55: {  	s23 =	sadd.s32 $0x8, s23;
	v27 =	vadd.f32 v27, v1;
	v26 =	vxor.u32 v26, v28;
	v28 =	vshll.u32 v14, $0x1F;
	[tilespmem:v9+s14+$0x0] =	vst.idx.add.s32.msk $0xffff, v15  }
0x56: {  	s24 =	sshll.u32 s23, $0x4;
	p1 =	slt.u32 s23, $0x3F8;
	v15 =	vadd.f32 v26, v1;
	v9 =	vxor.u32 v23, v28;
	v23 =	vshll.u32 v18, $0x1F;
	[tilespmem:v7+s14+$0x0] =	vst.idx.add.s32.msk $0xffff, v12  }
0x57: {  	s22 =	sadd.s32 $0x400, s22;
	s25 =	sshll.u32 s23, $0x2;
	v12 =	vshll.u32 v19, $0xF;
	s24 =	sand.u32 $0x7E00, s24;
	v19 =	vadd.f32 v9, v1;
	v7 =	vxor.u32 v22, v23;
	[tilespmem:v5+s14+$0x0] =	vst.idx.add.s32.msk $0xffff, v11  }
0x58: {  	s26 =	sand.u32 $0xC00, s22;
	s25 =	sand.u32 $0x380, s25;
	v11 =	vshll.u32 v17, $0xF;
	s24 =	sadd.s32 s21, s24;
	v17 =	vadd.f32 v7, v1;
	v5 =	vshll.u32 v21, $0x1F;
	[tilespmem:v4+s14+$0x0] =	vst.idx.add.s32.msk $0xffff, v10  }
0x59: {  	s25 =	sor.u32 s26, s25;
	v10 =	vshll.u32 v14, $0xF;
	v14 =	vshll.u32 v18, $0xF;
	s24 =	sand.u32 $0x7000, s24;
	v4 =	vxor.u32 v20, v5;
	[tilespmem:v3+s14+$0x0] =	vst.idx.add.s32.msk $0xffff, v8  }
0x5a: {  	v29 =	vand.u32 $0x7FF, v24;
	v18 =	vshll.u32 v21, $0xF;
	s24 =	sor.u32 s24, s25;
	v8 =	vadd.f32 v4, v1;
	[tilespmem:v2+s14+$0x0] =	vst.idx.add.s32.msk $0xffff, v6  }
0x5b: {  	v9 =	vand.u32 $0x7FF, v25;
	v7 =	vand.u32 $0x7FF, v27;
	v5 =	vand.u32 $0x7FF, v15;
	v20 =	vld [tilespmem:s24+$0x70]  }
0x5c: {  	v4 =	vand.u32 $0x7FF, v19;
	v3 =	vand.u32 $0x7FF, v17;
	v21 =	vld [tilespmem:s24+$0x8070];
	v2 =	vand.u32 $0x7FF, v8  }
0x5d: {  	v30 =	vor.u32 $0x1, v13;
	v12 =	vor.u32 $0x1, v12;
	v15 =	vor.u32 $0x1, v16;
	v17 =	vld [tilespmem:s24+$0x0]  }
0x5e: {  	v11 =	vor.u32 $0x1, v11;
	v10 =	vor.u32 $0x1, v10;
	v8 =	vor.u32 $0x1, v14;
	v13 =	vld [tilespmem:s24+$0x10]  }
0x5f: {  	v6 =	vor.u32 $0x1, v18;
	v14 =	vld [tilespmem:s24+$0x20]  }
0x60: {  	v16 =	vld [tilespmem:s24+$0x30];
	v18 =	vmul.f32 $6.400000000e+01, v20  }
0x61: {  	v20 =	vld [tilespmem:s24+$0x40];
	v19 =	vshll.u32 v21, $0x1F  }
0x62: {  	v24 =	vmul.f32 $6.400000000e+01, v17;
	v22 =	vld [tilespmem:s24+$0x50];
	v17 =	vxor.u32 v18, v19  }
0x63: {  	v25 =	vmul.f32 $6.400000000e+01, v13;
	v13 =	vld [tilespmem:s24+$0x60];
	v17 =	vadd.f32 v17, v1  }
0x64: {  	v18 =	vld [tilespmem:s24+$0x8000];
	v27 =	vmul.f32 $6.400000000e+01, v14  }
0x65: {  	v28 =	vld [tilespmem:s24+$0x8010];
	v26 =	vmul.f32 $6.400000000e+01, v16;
	v31 =	vand.u32 $0x7FF, v17  }
0x66: {  	v19 =	vld [tilespmem:s24+$0x8020];
	v23 =	vmul.f32 $6.400000000e+01, v20  }
0x67: {  	v17 =	vld [tilespmem:s24+$0x8030];
	v22 =	vmul.f32 $6.400000000e+01, v22  }
.Ltmp1:
0x68: {  	v16 =	vshll.u32 v21, $0xF;
	v14 =	vld [tilespmem:s24+$0x8040];
	v20 =	vmul.f32 $6.400000000e+01, v13;
	(pc) =	sbr.rel @p1 .LBB2_5-.Ltmp1, $4  }
0x69: {  	v32 =	vor.u32 $0x1, v16;
	v21 =	vshll.u32 v18, $0x1F;
	v13 =	vshll.u32 v18, $0xF;
	v18 =	vld [tilespmem:s24+$0x8050]  }
0x6a: {  	v21 =	vxor.u32 v24, v21;
	v33 =	vshll.u32 v28, $0x1F;
	v16 =	vshll.u32 v28, $0xF;
	[tilespmem:v31+s14+$0x0] =	vst.idx.add.s32.msk $0xffff, v32  }
0x6b: {  	v24 =	vadd.f32 v21, v1;
	v25 =	vxor.u32 v25, v33;
	v28 =	vshll.u32 v19, $0x1F;
	v21 =	vld [tilespmem:s24+$0x8060]  }
0x6c: {  	v25 =	vadd.f32 v25, v1;
	v27 =	vxor.u32 v27, v28;
	v28 =	vshll.u32 v17, $0x1F;
	[tilespmem:v29+s14+$0x0] =	vst.idx.add.s32.msk $0xffff, v30  }
0x6d: {  	_ =	sdelay $0x3  }
0x6e: {  	v27 =	vadd.f32 v27, v1;
	v26 =	vxor.u32 v26, v28;
	v45 =	vshll.u32 v14, $0x1F;
	[tilespmem:v9+s14+$0x0] =	vst.idx.add.s32.msk $0xffff, v15  }
0x6f: {  	[tilespmem:v7+s14+$0x0] =	vst.idx.add.s32.msk $0xffff, v12;
	v48 =	vand.u32 $0x7FF, v24;
	v46 =	vadd.f32 v26, v1;
	v47 =	vxor.u32 v23, v45  }
0x70: {  	[tilespmem:v5+s14+$0x0] =	vst.idx.add.s32.msk $0xffff, v11;
	v49 =	vshll.u32 v18, $0x1F;
	v50 =	vand.u32 $0x7FF, v25;
	v15 =	vadd.f32 v47, v1  }
0x71: {  	[tilespmem:v4+s14+$0x0] =	vst.idx.add.s32.msk $0xffff, v10;
	v51 =	vxor.u32 v22, v49;
	v53 =	vand.u32 $0x7FF, v27;
	v52 =	vshll.u32 v21, $0x1F  }
0x72: {  	[tilespmem:v3+s14+$0x0] =	vst.idx.add.s32.msk $0xffff, v8;
	v54 =	vadd.f32 v51, v1;
	v3 =	vand.u32 $0x7FF, v46;
	v55 =	vxor.u32 v20, v52  }
0x73: {  	[tilespmem:v2+s14+$0x0] =	vst.idx.add.s32.msk $0xffff, v6;
	v56 =	vor.u32 $0x1, v13;
	v2 =	vand.u32 $0x7FF, v15;
	v1 =	vadd.f32 v55, v1  }
0x74: {  	v57 =	vshll.u32 v19, $0xF;
	v59 =	vor.u32 $0x1, v16;
	v58 =	vand.u32 $0x7FF, v54;
	[tilespmem:v48+s14+$0x0] =	vst.idx.add.s32.msk $0xffff, v56  }
0x75: {  	v60 =	vshll.u32 v17, $0xF;
	v61 =	vor.u32 $0x1, v57;
	[tilespmem:v50+s14+$0x0] =	vst.idx.add.s32.msk $0xffff, v59;
	v1 =	vand.u32 $0x7FF, v1  }
0x76: {  	v62 =	vshll.u32 v14, $0xF;
	v6 =	vor.u32 $0x1, v60;
	[tilespmem:v53+s14+$0x0] =	vst.idx.add.s32.msk $0xffff, v61  }
0x77: {  	v63 =	vshll.u32 v18, $0xF;
	v5 =	vor.u32 $0x1, v62;
	[tilespmem:v3+s14+$0x0] =	vst.idx.add.s32.msk $0xffff, v6  }
0x78: {  	v4 =	vor.u32 $0x1, v63;
	v3 =	vshll.u32 v21, $0xF;
	[tilespmem:v2+s14+$0x0] =	vst.idx.add.s32.msk $0xffff, v5  }
0x79: {  	p1 =	seq.s32 s18, $0x0;
	v2 =	vor.u32 $0x1, v3;
	[tilespmem:v58+s14+$0x0] =	vst.idx.add.s32.msk $0xffff, v4  }
0x7a: {  	s18 =	simm.s32 @!p1 $0x3;
	[tilespmem:v1+s14+$0x0] =	vst.idx.add.s32.msk $0xffff, v2  }
0x7b: {  	_ =	swait.ge @!p1 [sflag:s18], $0x400  }
0x7c: {  	[sflag:s18] =	ssyncset.done @!p1 $0x0  }
0x7d: {  	[sflag:s18] =	ssyncadd.s32 @!p1 $0xFFFFFC00;
	p1 =	sne.s32 s17, $0x6  }
.Ltmp2:
0x7e: {  	_ = 	snop;
	(pc) =	sbr.rel @p1 .LBB2_2-.Ltmp2, $4  }
0x7f: {  	_ = 	snop  }
0x80: {  	s20 =	sshll.u32 s20, $0xB  }
0x81: {  	p0 =	por !p0, !p0;
	s31 =	sadd.s32 s20, s9;
	s18 =	smov.u32 s17  }
0x82: {  	[hbm4b:s31+s4] =	stream.linear.scatter [tilespmem:s19], [sflag:$0x3], $0x400, $0x38;
	[tilespmem:$0x10800] =	vst v63  }
0x83: {  	s16 =	sadd.s32 $0x1, s16  }
0x84: {  	p0 =	sne.s32 s16, s10  }
.Ltmp3:
0x85: {  	_ = 	snop;
	(pc) =	sbr.rel @p0 .LBB2_1-.Ltmp3, $4  }
0x86: {  	_ = 	snop  }
0x87: {  	_ =	swait.ge [sflag:s15], $0x400  }
0x88: {  	[sflag:s15] =	ssyncset.done $0x0  }
0x89: {  	[sflag:s15] =	ssyncadd.s32 $0xFFFFFC00  }
0x8a: {  	_ =	sfence.sel $0x180000  }
0x8b: {  	[bflag:$0x0] =	sbarrier.arrive $0xFFFF  }
0x8c: {  	p0 =	sne.s32 s3, $0x0;
	_ =	strace $0x90000047  }
0x8d: {  	s0 =	sadd.s32 @!p0 $0x100000, s0;
	[bflag:$0x2] =	sbarrier.arrive $0xFFFF  }
0x8e: {  	[sflag:s0] =	ssyncadd.tile.s32 @!p0 $0x1;
	_ =	shalt  }
.Lfunc_end2:
_tile_overlayer_lowered:
.L_overlay_start_2:
0x8f: {  	(tag) =	ssettag $0x2  }
0x90: {  	s0 =	rddreg [dreg:$0x0];
	s2 =	stileid.u32  }
0x91: {  	s1 =	rddreg [dreg:$0x1];
	p0 =	sne.s32 s2, $0x0  }
0x92: {  	s3 =	rddreg [dreg:$0x2];
	[bflag:$0x3] =	sbarrier.arrive $0xFFFF;
	s2 =	simm.s32 @!p0 $0x1C04  }
0x93: {  	[timem:s3], [sflag:s2] =	dma.local @!p0 [hbm:s0], s1  }
0x94: {  	s0 =	simm.s32 @!p0 $0x4  }
0x95: {  	_ =	swait.ge @!p0 [sflag:s0], s1  }
0x96: {  	s1 =	ssub.s32 @!p0 $0x0, s1;
	[sflag:s0] =	ssyncset.done @!p0 $0x0  }
0x97: {  	[sflag:s0] =	ssyncadd.s32 @!p0 s1  }
0x98: {  	[bflag:$0x3] =	sbarrier.arrive $0xFFFF  }
0x99: {  	_ =	shalt  }

</sc_bundles>
